<compile_context>
chip_gen: v7x
topology: tpu7x:2x2x1
jax: 0.10.2.dev20260603
libtpu: 0.0.44.dev20260713+nightly
codegen_flags: <defaults>
</compile_context>

<pallas_src>
import jax
import jax.numpy as jnp
from jax import lax
from jax.experimental import pallas as pl
from jax.experimental.pallas import tpu as pltpu
from jax.experimental.pallas import tpu_sc as plsc
from jax._src.pallas import mpmd as _mpmd

RES = 256
NUM_CELLS = RES ** 3
N_UPDATE = NUM_CELLS // 4
EMA_DECAY = 0.95
OCC_THRE = 0.01

NW = 32
J_PER_W = N_UPDATE // NW
W = 8192
N_WIN = J_PER_W // W
L = 16

_mesh = plsc.VectorSubcoreMesh(core_axis_name="c", subcore_axis_name="s")


def _wid():
    return lax.axis_index("s") * 2 + lax.axis_index("c")


def _k1_body(occs_hbm, idx_hbm, occ_hbm, uall_hbm,
             idx_v, occ_v, g_v, u_v, sem):
    base0 = _wid() * J_PER_W

    def win(w, carry):
        base = base0 + w * W
        pltpu.sync_copy(idx_hbm.at[pl.ds(base, W)], idx_v)
        pltpu.sync_copy(occ_hbm.at[pl.ds(base, W)], occ_v)
        pltpu.async_copy(occs_hbm.at[idx_v], g_v, sem).wait()

        def inner(i, c):
            s = pl.ds(i * L, L)
            u_v[s] = jnp.maximum(g_v[s] * EMA_DECAY, occ_v[s])
            return c

        lax.fori_loop(0, W // L, inner, 0)
        pltpu.sync_copy(u_v, uall_hbm.at[pl.ds(base, W)])
        return carry

    lax.fori_loop(0, N_WIN, win, 0)


_k1 = pl.kernel(
    _k1_body,
    out_type=(jax.ShapeDtypeStruct((N_UPDATE,), jnp.float32),),
    mesh=_mesh,
    scratch_types=[
        pltpu.VMEM((W,), jnp.int32),
        pltpu.VMEM((W,), jnp.float32),
        pltpu.VMEM((W,), jnp.float32),
        pltpu.VMEM((W,), jnp.float32),
        pltpu.SemaphoreType.DMA,
    ],
    name="occ_k1_gather_update",
)


PAD = NW * W


def _k4_body(sidx_hbm, su_hbm, occs_in, occs_out,
             ni_v, sv_v, ti_v, sem):
    base0 = _wid() * J_PER_W
    iota = lax.iota(jnp.int32, L)
    dummy0 = NUM_CELLS + _wid() * W

    def win(w, carry):
        base = base0 + w * W
        pltpu.sync_copy(sidx_hbm.at[pl.ds(base, W)], ni_v.at[pl.ds(0, W)])
        pltpu.sync_copy(su_hbm.at[pl.ds(base, W)], sv_v)

        @pl.when(base + W < N_UPDATE)
        def _():
            pltpu.sync_copy(sidx_hbm.at[pl.ds(base + W, L)],
                            ni_v.at[pl.ds(W, L)])

        @pl.when(base + W >= N_UPDATE)
        def _():
            ni_v[pl.ds(W, L)] = jnp.full((L,), -1, jnp.int32)

        def inner(i, c):
            o = i * L
            a = ni_v[pl.ds(o, L)]
            b = plsc.load_gather(ni_v, [o + 1 + iota])
            ti_v[pl.ds(o, L)] = jnp.where(a != b, a, dummy0 + o + iota)
            return c

        lax.fori_loop(0, W // L, inner, 0)
        pltpu.async_copy(sv_v, occs_out.at[pl.ds(base, W)], sem).wait()
        return carry

    lax.fori_loop(0, N_WIN, win, 0)


_k4 = _mpmd._mpmd_map(
    [(_mesh, _k4_body)],
    (jax.ShapeDtypeStruct((NUM_CELLS + PAD,), jnp.float32),),
    input_output_aliases={2: 0},
    scratch_types=[
        pltpu.VMEM((W + L,), jnp.int32),
        pltpu.VMEM((W,), jnp.float32),
        pltpu.VMEM((W,), jnp.int32),
        pltpu.SemaphoreType.DMA,
    ],
    compiler_params=pltpu.CompilerParams(needs_layout_passes=False),
    name="occ_k4_sorted_scatter",
)


BLK = 1 << 20
N_BLK = NUM_CELLS // BLK


def _sum_body(x_ref, o_ref):
    @pl.when(pl.program_id(0) == 0)
    def _():
        o_ref[0, 0] = 0.0

    o_ref[0, 0] += jnp.sum(x_ref[...])


_ksum = pl.pallas_call(
    _sum_body,
    out_shape=jax.ShapeDtypeStruct((1, 1), jnp.float32),
    grid=(N_BLK,),
    in_specs=[pl.BlockSpec((BLK,), lambda i: (i,))],
    out_specs=pl.BlockSpec((1, 1), lambda i: (0, 0),
                           memory_space=pltpu.SMEM),
    name="occ_k5_sum",
)


def _bin_body(t_ref, x_ref, o_ref):
    o_ref[...] = x_ref[...] > t_ref[0, 0]


_kbin = pl.pallas_call(
    _bin_body,
    out_shape=jax.ShapeDtypeStruct((NUM_CELLS,), jnp.bool_),
    grid=(N_BLK,),
    in_specs=[
        pl.BlockSpec(memory_space=pltpu.SMEM),
        pl.BlockSpec((BLK,), lambda i: (i,)),
    ],
    out_specs=pl.BlockSpec((BLK,), lambda i: (i,)),
    name="occ_k6_binary",
)


def kernel(occs, indices, occ):
    (uall,) = _k1(occs, indices, occ)
    sidx, su = lax.sort((indices, uall), dimension=0, num_keys=1,
                        is_stable=False)
    occs_pad = jnp.concatenate([occs, jnp.zeros((PAD,), jnp.float32)])
    (occs_new_pad,) = _k4(sidx, su, occs_pad)
    occs_new = occs_new_pad[:NUM_CELLS]
    total = _ksum(occs_new)
    thresh = jnp.minimum(total[0, 0] / NUM_CELLS, OCC_THRE)
    binary = _kbin(thresh.reshape(1, 1), occs_new)
    return occs_new, binary.reshape(RES, RES, RES)

# --- scband reference (transcript-rebuilt; emitter-appended) ---
"""Pipeline reference for scband-occupancy-grid-70892730187901 (READ-ONLY COPY).

The authoritative reference and input builder live on the scoring server;
editing this copy changes nothing except your own understanding.
"""

import jax, jax.numpy as jnp
import numpy as np

RES = 256
NUM_CELLS = RES ** 3  # 16,777,216 cells (resolution=256 cube)
N_UPDATE = NUM_CELLS // 4  # matches OccupancyGrid._update post-warmup sample count
EMA_DECAY = 0.95
OCC_THRE = 0.01


def setup_inputs(seed: int = 0) -> dict:
    key = jax.random.key(seed)
    k1, k2, k3 = jax.random.split(key, 3)
    # persistent occupancy memory (the 'occs' buffer of the grid)
    occs = jax.random.uniform(k1, (NUM_CELLS,), dtype=jnp.float32)
    # sampled cell indices to update (uniform + occupied cells in the torch code)
    indices = jax.random.randint(k2, (N_UPDATE,), 0, NUM_CELLS, dtype=jnp.int32)
    # occ_eval_fn(x).squeeze(-1) results for the sampled cells
    occ = jax.random.uniform(k3, (N_UPDATE,), dtype=jnp.float32)
    return {"occs": occs, "indices": indices, "occ": occ}


def reference(occs, indices, occ):
    # Faithful jax translation of OccupancyGrid._update core:
    #   self.occs[indices] = torch.maximum(self.occs[indices] * ema_decay, occ)
    #   self._binary = (self.occs > torch.clamp(self.occs.mean(), max=occ_thre)).view(binary.shape)
    gathered = jnp.take(occs, indices, axis=0)               # gather from memory
    updated = jnp.maximum(gathered * EMA_DECAY, occ)         # EMA max update
    occs_new = occs.at[indices].set(updated)                 # scatter-overwrite into memory
    thresh = jnp.minimum(jnp.mean(occs_new), OCC_THRE)       # torch.clamp(mean, max=occ_thre)
    binary = (occs_new > thresh).reshape(RES, RES, RES)
    return occs_new, binary

if __name__ == "__main__":
    import jax
    _d = setup_inputs()
    print(jax.jit(kernel)(*tuple(_d.values())))

</pallas_src>

<mosaic_0001>
#map = affine_map<(d0, d1) -> (0)>
module attributes {stable_mosaic.version = 14 : i64} {
  func.func @occ_k4_sorted_scatter(%arg0: i32, %arg1: i32, %arg2: memref<4194304xi32, #tpu.memory_space<hbm>>, %arg3: memref<4194304xf32, #tpu.memory_space<hbm>>, %arg4: memref<17039360xf32, #tpu.memory_space<hbm>>, %arg5: memref<17039360xf32, #tpu.memory_space<hbm>>, %arg6: memref<8208xi32, #tpu.memory_space<vmem>>, %arg7: memref<8192xf32, #tpu.memory_space<vmem>>, %arg8: memref<8192xi32, #tpu.memory_space<vmem>>, %arg9: memref<!tpu.dma_semaphore, #tpu.memory_space<semaphore_mem>>) attributes {dimension_semantics = [#tpu.dimension_semantics<core_parallel>, #tpu.dimension_semantics<subcore_parallel>], iteration_bounds = array<i64: 2, 16>, scalar_prefetch = 0 : i64, scratch_operands = 4 : i64, tpu.core_type = #tpu.core_type<sc_vector_subcore>, window_params = [{transform_indices = #map}, {transform_indices = #map}, {transform_indices = #map}, {transform_indices = #map}]} {
    %mul3A = arith.constant 2 : i32
    %mul3A_0 = arith.muli %arg1, %mul3A : i32
    %add3A = arith.addi %mul3A_0, %arg0 : i32
    %mul3A_1 = arith.constant 131072 : i32
    %mul3A_2 = arith.muli %add3A, %mul3A_1 : i32
    %iota3A = tpu.iota {dimensions = array<i32: 0>} : vector<16xi32>
    %mul3A_3 = arith.constant 2 : i32
    %mul3A_4 = arith.muli %arg1, %mul3A_3 : i32
    %add3A_5 = arith.addi %mul3A_4, %arg0 : i32
    %mul3A_6 = arith.constant 8192 : i32
    %mul3A_7 = arith.muli %add3A_5, %mul3A_6 : i32
    %add3A_8 = arith.constant 16777216 : i32
    %add3A_9 = arith.addi %add3A_8, %mul3A_7 : i32
    %scan3A = arith.constant 0 : i32
    %scan3A_10 = arith.constant 0 : i32
    %scan3A_11 = arith.constant 16 : i32
    %scan3A_12 = arith.addi %scan3A_10, %scan3A_11 : i32
    %scan3A_13 = arith.constant 1 : i32
    scf.for %scan3A_15 = %scan3A_10 to %scan3A_12 step %scan3A_13  : i32 {
      %mul3A_16 = arith.constant 8192 : i32
      %mul3A_17 = arith.muli %scan3A_15, %mul3A_16 : i32
      %add3A_18 = arith.addi %mul3A_2, %mul3A_17 : i32
      "tpu.region"() ({
        %run_scoped3A = tpu.sem_alloc : memref<!tpu.dma_semaphore, #tpu.memory_space<semaphore_mem>>
        %dma_start3A_37 = arith.constant 0 : i32
        %dma_start3A_38 = tpu.memref_slice %arg6[%dma_start3A_37] : memref<8208xi32, #tpu.memory_space<vmem>> -> memref<8192xi32, #tpu.memory_space<vmem>>
        %dma_start3A_39 = tpu.memref_slice %arg2[%add3A_18] : memref<4194304xi32, #tpu.memory_space<hbm>> -> memref<8192xi32, #tpu.memory_space<hbm>>
        %dma_start3A_40 = arith.constant 0 : i32
        %dma_start3A_41 = tpu.memref_slice %arg6[%dma_start3A_40] : memref<8208xi32, #tpu.memory_space<vmem>> -> memref<8192xi32, #tpu.memory_space<vmem>>
        %dma_start3A_42 = tpu.memref_slice %arg2[%add3A_18] : memref<4194304xi32, #tpu.memory_space<hbm>> -> memref<8192xi32, #tpu.memory_space<hbm>>
        tpu.enqueue_dma source(%dma_start3A_42 : memref<8192xi32, #tpu.memory_space<hbm>>) target(%dma_start3A_41 : memref<8192xi32, #tpu.memory_space<vmem>>) target_semaphore(%run_scoped3A : memref<!tpu.dma_semaphore, #tpu.memory_space<semaphore_mem>>)
        %dma_wait3A_43 = arith.constant 0 : i32
        %dma_wait3A_44 = tpu.memref_slice %arg6[%dma_wait3A_43] : memref<8208xi32, #tpu.memory_space<vmem>> -> memref<8192xi32, #tpu.memory_space<vmem>>
        %dma_wait3A_45 = tpu.memref_slice %arg2[%add3A_18] : memref<4194304xi32, #tpu.memory_space<hbm>> -> memref<8192xi32, #tpu.memory_space<hbm>>
        %dma_wait3A_46 = arith.constant 0 : i32
        %dma_wait3A_47 = tpu.memref_slice %arg6[%dma_wait3A_46] : memref<8208xi32, #tpu.memory_space<vmem>> -> memref<8192xi32, #tpu.memory_space<vmem>>
        %dma_wait3A_48 = tpu.memref_slice %arg2[%add3A_18] : memref<4194304xi32, #tpu.memory_space<hbm>> -> memref<8192xi32, #tpu.memory_space<hbm>>
        tpu.wait_dma2 semaphore(%run_scoped3A : memref<!tpu.dma_semaphore, #tpu.memory_space<semaphore_mem>>) src(%dma_wait3A_48 : memref<8192xi32, #tpu.memory_space<hbm>>) dst(%dma_wait3A_47 : memref<8192xi32, #tpu.memory_space<vmem>>)
        tpu.yield
      }) : () -> ()
      "tpu.region"() ({
        %run_scoped3A = tpu.sem_alloc : memref<!tpu.dma_semaphore, #tpu.memory_space<semaphore_mem>>
        %dma_start3A_37 = tpu.memref_slice %arg3[%add3A_18] : memref<4194304xf32, #tpu.memory_space<hbm>> -> memref<8192xf32, #tpu.memory_space<hbm>>
        %dma_start3A_38 = tpu.memref_slice %arg3[%add3A_18] : memref<4194304xf32, #tpu.memory_space<hbm>> -> memref<8192xf32, #tpu.memory_space<hbm>>
        tpu.enqueue_dma source(%dma_start3A_38 : memref<8192xf32, #tpu.memory_space<hbm>>) target(%arg7 : memref<8192xf32, #tpu.memory_space<vmem>>) target_semaphore(%run_scoped3A : memref<!tpu.dma_semaphore, #tpu.memory_space<semaphore_mem>>)
        %dma_wait3A_39 = tpu.memref_slice %arg3[%add3A_18] : memref<4194304xf32, #tpu.memory_space<hbm>> -> memref<8192xf32, #tpu.memory_space<hbm>>
        %dma_wait3A_40 = tpu.memref_slice %arg3[%add3A_18] : memref<4194304xf32, #tpu.memory_space<hbm>> -> memref<8192xf32, #tpu.memory_space<hbm>>
        tpu.wait_dma2 semaphore(%run_scoped3A : memref<!tpu.dma_semaphore, #tpu.memory_space<semaphore_mem>>) src(%dma_wait3A_40 : memref<8192xf32, #tpu.memory_space<hbm>>) dst(%arg7 : memref<8192xf32, #tpu.memory_space<vmem>>)
        tpu.yield
      }) : () -> ()
      %add3A_19 = arith.constant 8192 : i32
      %add3A_20 = arith.addi %add3A_18, %add3A_19 : i32
      %lt3A = arith.constant 4194304 : i32
      %lt3A_21 = arith.cmpi slt, %add3A_20, %lt3A : i32
      %convert_element_type3A = arith.extui %lt3A_21 : i1 to i32
      %cond3A = arith.constant 0 : i32
      %cond3A_22 = arith.cmpi ne, %convert_element_type3A, %cond3A : i32
      scf.if %cond3A_22 {
        %add3A_37 = arith.constant 8192 : i32
        %add3A_38 = arith.addi %add3A_18, %add3A_37 : i32
        "tpu.region"() ({
          %run_scoped3A = tpu.sem_alloc : memref<!tpu.dma_semaphore, #tpu.memory_space<semaphore_mem>>
          %dma_start3A_39 = arith.constant 8192 : i32
          %dma_start3A_40 = tpu.memref_slice %arg6[%dma_start3A_39] : memref<8208xi32, #tpu.memory_space<vmem>> -> memref<16xi32, #tpu.memory_space<vmem>>
          %dma_start3A_41 = tpu.memref_slice %arg2[%add3A_38] : memref<4194304xi32, #tpu.memory_space<hbm>> -> memref<16xi32, #tpu.memory_space<hbm>>
          %dma_start3A_42 = arith.constant 8192 : i32
          %dma_start3A_43 = tpu.memref_slice %arg6[%dma_start3A_42] : memref<8208xi32, #tpu.memory_space<vmem>> -> memref<16xi32, #tpu.memory_space<vmem>>
          %dma_start3A_44 = tpu.memref_slice %arg2[%add3A_38] : memref<4194304xi32, #tpu.memory_space<hbm>> -> memref<16xi32, #tpu.memory_space<hbm>>
          tpu.enqueue_dma source(%dma_start3A_44 : memref<16xi32, #tpu.memory_space<hbm>>) target(%dma_start3A_43 : memref<16xi32, #tpu.memory_space<vmem>>) target_semaphore(%run_scoped3A : memref<!tpu.dma_semaphore, #tpu.memory_space<semaphore_mem>>)
          %dma_wait3A_45 = arith.constant 8192 : i32
          %dma_wait3A_46 = tpu.memref_slice %arg6[%dma_wait3A_45] : memref<8208xi32, #tpu.memory_space<vmem>> -> memref<16xi32, #tpu.memory_space<vmem>>
          %dma_wait3A_47 = tpu.memref_slice %arg2[%add3A_38] : memref<4194304xi32, #tpu.memory_space<hbm>> -> memref<16xi32, #tpu.memory_space<hbm>>
          %dma_wait3A_48 = arith.constant 8192 : i32
          %dma_wait3A_49 = tpu.memref_slice %arg6[%dma_wait3A_48] : memref<8208xi32, #tpu.memory_space<vmem>> -> memref<16xi32, #tpu.memory_space<vmem>>
          %dma_wait3A_50 = tpu.memref_slice %arg2[%add3A_38] : memref<4194304xi32, #tpu.memory_space<hbm>> -> memref<16xi32, #tpu.memory_space<hbm>>
          tpu.wait_dma2 semaphore(%run_scoped3A : memref<!tpu.dma_semaphore, #tpu.memory_space<semaphore_mem>>) src(%dma_wait3A_50 : memref<16xi32, #tpu.memory_space<hbm>>) dst(%dma_wait3A_49 : memref<16xi32, #tpu.memory_space<vmem>>)
          tpu.yield
        }) : () -> ()
      } else {
      }
      %add3A_23 = arith.constant 8192 : i32
      %add3A_24 = arith.addi %add3A_18, %add3A_23 : i32
      %ge3A = arith.constant 4194304 : i32
      %ge3A_25 = arith.cmpi sge, %add3A_24, %ge3A : i32
      %convert_element_type3A_26 = arith.extui %ge3A_25 : i1 to i32
      %cond3A_27 = arith.constant 0 : i32
      %cond3A_28 = arith.cmpi ne, %convert_element_type3A_26, %cond3A_27 : i32
      scf.if %cond3A_28 {
        %broadcast_in_dim3A = arith.constant -1 : i32
        %broadcast_in_dim3A_37 = vector.broadcast %broadcast_in_dim3A : i32 to vector<16xi32>
        %swap3A = arith.constant 8192 : index
        %swap3A_38 = tpu.vector_load %arg6[%swap3A] {strides = array<i32>} : memref<8208xi32, #tpu.memory_space<vmem>>, vector<16xi32>,
        tpu.vector_store %arg6[%swap3A], %broadcast_in_dim3A_37 {strides = array<i32>} : memref<8208xi32, #tpu.memory_space<vmem>>, vector<16xi32>,
      } else {
      }
      %scan3A_29 = arith.constant 0 : i32
      %scan3A_30 = arith.constant 0 : i32
      %scan3A_31 = arith.constant 512 : i32
      %scan3A_32 = arith.addi %scan3A_30, %scan3A_31 : i32
      %scan3A_33 = arith.constant 1 : i32
      scf.for %scan3A_37 = %scan3A_30 to %scan3A_32 step %scan3A_33  : i32 {
        %mul3A_38 = arith.constant 16 : i32
        %mul3A_39 = arith.muli %scan3A_37, %mul3A_38 : i32
        %get3A = arith.index_cast %mul3A_39 : i32 to index
        %get3A_40 = tpu.vector_load %arg6[%get3A] {strides = array<i32>} : memref<8208xi32, #tpu.memory_space<vmem>>, vector<16xi32>,
        %add3A_41 = arith.constant 1 : i32
        %add3A_42 = arith.addi %mul3A_39, %add3A_41 : i32
        %add3A_43 = vector.broadcast %add3A_42 : i32 to vector<16xi32>
        %add3A_44 = arith.addi %add3A_43, %iota3A : vector<16xi32>
        %gather3A = tpu.vector_load_idx %arg6[%add3A_44] : memref<8208xi32, #tpu.memory_space<vmem>>[vector<16xi32>], vector<16xi32>,
        %ne3A = arith.cmpi ne, %get3A_40, %gather3A : vector<16xi32>
        %add3A_45 = arith.addi %add3A_9, %mul3A_39 : i32
        %add3A_46 = vector.broadcast %add3A_45 : i32 to vector<16xi32>
        %add3A_47 = arith.addi %add3A_46, %iota3A : vector<16xi32>
        %select_n3A = arith.select %ne3A, %get3A_40, %add3A_47 : vector<16xi1>, vector<16xi32>
        %swap3A = arith.index_cast %mul3A_39 : i32 to index
        %swap3A_48 = tpu.vector_load %arg8[%swap3A] {strides = array<i32>} : memref<8192xi32, #tpu.memory_space<vmem>>, vector<16xi32>,
        tpu.vector_store %arg8[%swap3A], %select_n3A {strides = array<i32>} : memref<8192xi32, #tpu.memory_space<vmem>>, vector<16xi32>,
      }
      %scan3A_34 = arith.constant 512 : i32
      %dma_start3A = tpu.memref_slice %arg5[%add3A_18] : memref<17039360xf32, #tpu.memory_space<hbm>> -> memref<8192xf32, #tpu.memory_space<hbm>>
      %dma_start3A_35 = tpu.memref_slice %arg5[%add3A_18] : memref<17039360xf32, #tpu.memory_space<hbm>> -> memref<8192xf32, #tpu.memory_space<hbm>>
      tpu.enqueue_dma source(%arg7 : memref<8192xf32, #tpu.memory_space<vmem>>) target(%dma_start3A_35 : memref<8192xf32, #tpu.memory_space<hbm>>) target_semaphore(%arg9 : memref<!tpu.dma_semaphore, #tpu.memory_space<semaphore_mem>>)
      %dma_wait3A = tpu.memref_slice %arg5[%add3A_18] : memref<17039360xf32, #tpu.memory_space<hbm>> -> memref<8192xf32, #tpu.memory_space<hbm>>
      %dma_wait3A_36 = tpu.memref_slice %arg5[%add3A_18] : memref<17039360xf32, #tpu.memory_space<hbm>> -> memref<8192xf32, #tpu.memory_space<hbm>>
      tpu.wait_dma2 semaphore(%arg9 : memref<!tpu.dma_semaphore, #tpu.memory_space<semaphore_mem>>) src(%arg7 : memref<8192xf32, #tpu.memory_space<vmem>>) dst(%dma_wait3A_36 : memref<8192xf32, #tpu.memory_space<hbm>>)
    }
    %scan3A_14 = arith.constant 16 : i32
    return
  }
}

#map = affine_map<(d0, d1) -> (0)>
module attributes {stable_mosaic.version = 14 : i64} {
  func.func @occ_k1_gather_update(%arg0: i32, %arg1: i32, %arg2: memref<16777216xf32, #tpu.memory_space<hbm>>, %arg3: memref<4194304xi32, #tpu.memory_space<hbm>>, %arg4: memref<4194304xf32, #tpu.memory_space<hbm>>, %arg5: memref<4194304xf32, #tpu.memory_space<hbm>>, %arg6: memref<8192xi32, #tpu.memory_space<vmem>>, %arg7: memref<8192xf32, #tpu.memory_space<vmem>>, %arg8: memref<8192xf32, #tpu.memory_space<vmem>>, %arg9: memref<8192xf32, #tpu.memory_space<vmem>>, %arg10: memref<!tpu.dma_semaphore, #tpu.memory_space<semaphore_mem>>) attributes {dimension_semantics = [#tpu.dimension_semantics<core_parallel>, #tpu.dimension_semantics<subcore_parallel>], iteration_bounds = array<i64: 2, 16>, scalar_prefetch = 0 : i64, scratch_operands = 5 : i64, tpu.core_type = #tpu.core_type<sc_vector_subcore>, window_params = [{transform_indices = #map}, {transform_indices = #map}, {transform_indices = #map}, {transform_indices = #map}]} {
    %mul3A = arith.constant 2 : i32
    %mul3A_0 = arith.muli %arg1, %mul3A : i32
    %add3A = arith.addi %mul3A_0, %arg0 : i32
    %mul3A_1 = arith.constant 131072 : i32
    %mul3A_2 = arith.muli %add3A, %mul3A_1 : i32
    %scan3A = arith.constant 0 : i32
    %scan3A_3 = arith.constant 0 : i32
    %scan3A_4 = arith.constant 16 : i32
    %scan3A_5 = arith.addi %scan3A_3, %scan3A_4 : i32
    %scan3A_6 = arith.constant 1 : i32
    scf.for %scan3A_8 = %scan3A_3 to %scan3A_5 step %scan3A_6  : i32 {
      %mul3A_9 = arith.constant 8192 : i32
      %mul3A_10 = arith.muli %scan3A_8, %mul3A_9 : i32
      %add3A_11 = arith.addi %mul3A_2, %mul3A_10 : i32
      "tpu.region"() ({
        %run_scoped3A = tpu.sem_alloc : memref<!tpu.dma_semaphore, #tpu.memory_space<semaphore_mem>>
        %dma_start3A_20 = tpu.memref_slice %arg3[%add3A_11] : memref<4194304xi32, #tpu.memory_space<hbm>> -> memref<8192xi32, #tpu.memory_space<hbm>>
        %dma_start3A_21 = tpu.memref_slice %arg3[%add3A_11] : memref<4194304xi32, #tpu.memory_space<hbm>> -> memref<8192xi32, #tpu.memory_space<hbm>>
        tpu.enqueue_dma source(%dma_start3A_21 : memref<8192xi32, #tpu.memory_space<hbm>>) target(%arg6 : memref<8192xi32, #tpu.memory_space<vmem>>) target_semaphore(%run_scoped3A : memref<!tpu.dma_semaphore, #tpu.memory_space<semaphore_mem>>)
        %dma_wait3A_22 = tpu.memref_slice %arg3[%add3A_11] : memref<4194304xi32, #tpu.memory_space<hbm>> -> memref<8192xi32, #tpu.memory_space<hbm>>
        %dma_wait3A_23 = tpu.memref_slice %arg3[%add3A_11] : memref<4194304xi32, #tpu.memory_space<hbm>> -> memref<8192xi32, #tpu.memory_space<hbm>>
        tpu.wait_dma2 semaphore(%run_scoped3A : memref<!tpu.dma_semaphore, #tpu.memory_space<semaphore_mem>>) src(%dma_wait3A_23 : memref<8192xi32, #tpu.memory_space<hbm>>) dst(%arg6 : memref<8192xi32, #tpu.memory_space<vmem>>)
        tpu.yield
      }) : () -> ()
      "tpu.region"() ({
        %run_scoped3A = tpu.sem_alloc : memref<!tpu.dma_semaphore, #tpu.memory_space<semaphore_mem>>
        %dma_start3A_20 = tpu.memref_slice %arg4[%add3A_11] : memref<4194304xf32, #tpu.memory_space<hbm>> -> memref<8192xf32, #tpu.memory_space<hbm>>
        %dma_start3A_21 = tpu.memref_slice %arg4[%add3A_11] : memref<4194304xf32, #tpu.memory_space<hbm>> -> memref<8192xf32, #tpu.memory_space<hbm>>
        tpu.enqueue_dma source(%dma_start3A_21 : memref<8192xf32, #tpu.memory_space<hbm>>) target(%arg7 : memref<8192xf32, #tpu.memory_space<vmem>>) target_semaphore(%run_scoped3A : memref<!tpu.dma_semaphore, #tpu.memory_space<semaphore_mem>>)
        %dma_wait3A_22 = tpu.memref_slice %arg4[%add3A_11] : memref<4194304xf32, #tpu.memory_space<hbm>> -> memref<8192xf32, #tpu.memory_space<hbm>>
        %dma_wait3A_23 = tpu.memref_slice %arg4[%add3A_11] : memref<4194304xf32, #tpu.memory_space<hbm>> -> memref<8192xf32, #tpu.memory_space<hbm>>
        tpu.wait_dma2 semaphore(%run_scoped3A : memref<!tpu.dma_semaphore, #tpu.memory_space<semaphore_mem>>) src(%dma_wait3A_23 : memref<8192xf32, #tpu.memory_space<hbm>>) dst(%arg7 : memref<8192xf32, #tpu.memory_space<vmem>>)
        tpu.yield
      }) : () -> ()
      %dma_start3A = arith.constant 0 : i32
      %dma_start3A_12 = tpu.memref_slice %arg2[%dma_start3A] : memref<16777216xf32, #tpu.memory_space<hbm>> -> memref<16777216xf32, #tpu.memory_space<hbm>>
      tpu.enqueue_indirect_dma source(%dma_start3A_12 : memref<16777216xf32, #tpu.memory_space<hbm>>) target(%arg8 : memref<8192xf32, #tpu.memory_space<vmem>>) offsets(%arg6 : memref<8192xi32, #tpu.memory_space<vmem>>) semaphore(%arg10 : memref<!tpu.dma_semaphore, #tpu.memory_space<semaphore_mem>>)
      %dma_wait3A = arith.constant 0 : i32
      %dma_wait3A_13 = tpu.memref_slice %arg2[%dma_wait3A] : memref<16777216xf32, #tpu.memory_space<hbm>> -> memref<16777216xf32, #tpu.memory_space<hbm>>
      tpu.wait_indirect_dma semaphore(%arg10 : memref<!tpu.dma_semaphore, #tpu.memory_space<semaphore_mem>>) src(%dma_wait3A_13 : memref<16777216xf32, #tpu.memory_space<hbm>>) dst(%arg8 : memref<8192xf32, #tpu.memory_space<vmem>>)
      %scan3A_14 = arith.constant 0 : i32
      %scan3A_15 = arith.constant 0 : i32
      %scan3A_16 = arith.constant 512 : i32
      %scan3A_17 = arith.addi %scan3A_15, %scan3A_16 : i32
      %scan3A_18 = arith.constant 1 : i32
      scf.for %scan3A_20 = %scan3A_15 to %scan3A_17 step %scan3A_18  : i32 {
        %mul3A_21 = arith.constant 16 : i32
        %mul3A_22 = arith.muli %scan3A_20, %mul3A_21 : i32
        %get3A = arith.index_cast %mul3A_22 : i32 to index
        %get3A_23 = tpu.vector_load %arg8[%get3A] {strides = array<i32>} : memref<8192xf32, #tpu.memory_space<vmem>>, vector<16xf32>,
        %get3A_24 = vector.shape_cast %get3A_23 : vector<16xf32> to vector<16xf32>
        %mul3A_25 = arith.constant 0.949999988 : f32
        %mul3A_26 = vector.broadcast %mul3A_25 : f32 to vector<16xf32>
        %mul3A_27 = arith.mulf %get3A_24, %mul3A_26 : vector<16xf32>
        %get3A_28 = arith.index_cast %mul3A_22 : i32 to index
        %get3A_29 = tpu.vector_load %arg7[%get3A_28] {strides = array<i32>} : memref<8192xf32, #tpu.memory_space<vmem>>, vector<16xf32>,
        %get3A_30 = vector.shape_cast %get3A_29 : vector<16xf32> to vector<16xf32>
        %max3A = arith.maximumf %mul3A_27, %get3A_30 : vector<16xf32>
        %swap3A = arith.index_cast %mul3A_22 : i32 to index
        %swap3A_31 = tpu.vector_load %arg9[%swap3A] {strides = array<i32>} : memref<8192xf32, #tpu.memory_space<vmem>>, vector<16xf32>,
        %swap3A_32 = vector.shape_cast %swap3A_31 : vector<16xf32> to vector<16xf32>
        %swap3A_33 = vector.shape_cast %max3A : vector<16xf32> to vector<16xf32>
        tpu.vector_store %arg9[%swap3A], %swap3A_33 {strides = array<i32>} : memref<8192xf32, #tpu.memory_space<vmem>>, vector<16xf32>,
      }
      %scan3A_19 = arith.constant 512 : i32
      "tpu.region"() ({
        %run_scoped3A = tpu.sem_alloc : memref<!tpu.dma_semaphore, #tpu.memory_space<semaphore_mem>>
        %dma_start3A_20 = tpu.memref_slice %arg5[%add3A_11] : memref<4194304xf32, #tpu.memory_space<hbm>> -> memref<8192xf32, #tpu.memory_space<hbm>>
        %dma_start3A_21 = tpu.memref_slice %arg5[%add3A_11] : memref<4194304xf32, #tpu.memory_space<hbm>> -> memref<8192xf32, #tpu.memory_space<hbm>>
        tpu.enqueue_dma source(%arg9 : memref<8192xf32, #tpu.memory_space<vmem>>) target(%dma_start3A_21 : memref<8192xf32, #tpu.memory_space<hbm>>) target_semaphore(%run_scoped3A : memref<!tpu.dma_semaphore, #tpu.memory_space<semaphore_mem>>)
        %dma_wait3A_22 = tpu.memref_slice %arg5[%add3A_11] : memref<4194304xf32, #tpu.memory_space<hbm>> -> memref<8192xf32, #tpu.memory_space<hbm>>
        %dma_wait3A_23 = tpu.memref_slice %arg5[%add3A_11] : memref<4194304xf32, #tpu.memory_space<hbm>> -> memref<8192xf32, #tpu.memory_space<hbm>>
        tpu.wait_dma2 semaphore(%run_scoped3A : memref<!tpu.dma_semaphore, #tpu.memory_space<semaphore_mem>>) src(%arg9 : memref<8192xf32, #tpu.memory_space<vmem>>) dst(%dma_wait3A_23 : memref<8192xf32, #tpu.memory_space<hbm>>)
        tpu.yield
      }) : () -> ()
    }
    %scan3A_7 = arith.constant 16 : i32
    return
  }
}

module attributes {stable_mosaic.version = 14 : i64} {
  func.func @occ_k5_sum(%arg0: i32, %arg1: memref<1048576xf32, #tpu.memory_space<vmem>>, %arg2: memref<1x1xf32, #tpu.memory_space<smem>>) attributes {dimension_semantics = [#tpu.dimension_semantics<arbitrary>], iteration_bounds = array<i64: 16>, scalar_prefetch = 0 : i64, scratch_operands = 0 : i64, tpu.core_type = #tpu.core_type<tc>, window_params = [{transform_indices = @transform_0, window_bounds = array<i64: 1048576>}, {transform_indices = @transform_1, window_bounds = array<i64: 1, 1>}]} {
    %eq3A = arith.constant 0 : i32
    %eq3A_0 = arith.cmpi eq, %arg0, %eq3A : i32
    %convert_element_type3A = arith.extui %eq3A_0 : i1 to i32
    %cond3A = arith.constant 0 : i32
    %cond3A_1 = arith.cmpi ne, %convert_element_type3A, %cond3A : i32
    scf.if %cond3A_1 {
      %swap3A_12 = arith.constant 0.000000e+00 : f32
      %swap3A_13 = arith.constant 0 : index
      %swap3A_14 = arith.constant 0 : index
      %swap3A_15 = memref.load %arg2[%swap3A_13, %swap3A_14] : memref<1x1xf32, #tpu.memory_space<smem>>
      memref.store %swap3A_12, %arg2[%swap3A_13, %swap3A_14] : memref<1x1xf32, #tpu.memory_space<smem>>
    } else {
    }
    %get3A = arith.constant 0 : index
    %get3A_2 = arith.constant 0 : index
    %get3A_3 = memref.load %arg2[%get3A, %get3A_2] : memref<1x1xf32, #tpu.memory_space<smem>>
    %get3A_4 = arith.constant 0 : index
    %get3A_5 = vector.load %arg1[%get3A_4] : memref<1048576xf32, #tpu.memory_space<vmem>>, vector<1048576xf32>
    %reduce_sum3A = vector.shape_cast %get3A_5 : vector<1048576xf32> to vector<1x1048576xf32>
    %reduce_sum3A_6 = arith.constant dense<0.000000e+00> : vector<1xf32>
    %reduce_sum3A_7 = vector.multi_reduction <add>, %reduce_sum3A, %reduce_sum3A_6 [1] : vector<1x1048576xf32> to vector<1xf32>
    %reduce_sum3A_8 = vector.shape_cast %reduce_sum3A_7 : vector<1xf32> to vector<1x1xf32>
    %reduce_sum3A_9 = vector.extract %reduce_sum3A_8[0, 0] : f32 from vector<1x1xf32>
    %add3A = arith.addf %get3A_3, %reduce_sum3A_9 : f32
    %swap3A = arith.constant 0 : index
    %swap3A_10 = arith.constant 0 : index
    %swap3A_11 = memref.load %arg2[%swap3A, %swap3A_10] : memref<1x1xf32, #tpu.memory_space<smem>>
    memref.store %add3A, %arg2[%swap3A, %swap3A_10] : memref<1x1xf32, #tpu.memory_space<smem>>
    return
  }
  func.func @transform_0(%arg0: i32) -> i32 {
    %c0_i32 = arith.constant 0 : i32
    return %arg0 : i32
  }
  func.func @transform_1(%arg0: i32) -> (i32, i32) {
    %c0_i32 = arith.constant 0 : i32
    %c0_i32_0 = arith.constant 0 : i32
    %c0_i32_1 = arith.constant 0 : i32
    return %c0_i32, %c0_i32_0 : i32, i32
  }
}

module attributes {stable_mosaic.version = 14 : i64} {
  func.func @occ_k6_binary(%arg0: i32, %arg1: memref<1x1xf32, #tpu.memory_space<smem>>, %arg2: memref<1048576xf32, #tpu.memory_space<vmem>>, %arg3: memref<1048576xi32, #tpu.memory_space<vmem>>) attributes {dimension_semantics = [#tpu.dimension_semantics<arbitrary>], iteration_bounds = array<i64: 16>, scalar_prefetch = 0 : i64, scratch_operands = 0 : i64, tpu.core_type = #tpu.core_type<tc>, window_params = [{transform_indices = @transform_0, window_bounds = array<i64: 1, 1>}, {transform_indices = @transform_1, window_bounds = array<i64: 1048576>}, {transform_indices = @transform_2, window_bounds = array<i64: 1048576>}]} {
    %get3A = arith.constant 0 : index
    %get3A_0 = vector.load %arg2[%get3A] : memref<1048576xf32, #tpu.memory_space<vmem>>, vector<1048576xf32>
    %get3A_1 = arith.constant 0 : index
    %get3A_2 = arith.constant 0 : index
    %get3A_3 = memref.load %arg1[%get3A_1, %get3A_2] : memref<1x1xf32, #tpu.memory_space<smem>>
    %gt3A = vector.broadcast %get3A_3 : f32 to vector<1048576xf32>
    %gt3A_4 = arith.cmpf ogt, %get3A_0, %gt3A : vector<1048576xf32>
    %swap3A = arith.constant 0 : index
    %swap3A_5 = vector.load %arg3[%swap3A] : memref<1048576xi32, #tpu.memory_space<vmem>>, vector<1048576xi32>
    %swap3A_6 = arith.extui %gt3A_4 : vector<1048576xi1> to vector<1048576xi32>
    %swap3A_7 = arith.constant dense<0> : vector<1048576xi32>
    %swap3A_8 = arith.cmpi ne, %swap3A_5, %swap3A_7 : vector<1048576xi32>
    tpu.vector_store %arg3[%swap3A], %swap3A_6 {strides = array<i32>} : memref<1048576xi32, #tpu.memory_space<vmem>>, vector<1048576xi32>,
    return
  }
  func.func @transform_0(%arg0: i32) -> (i32, i32) {
    %c0_i32 = arith.constant 0 : i32
    %c0_i32_0 = arith.constant 0 : i32
    %c0_i32_1 = arith.constant 0 : i32
    return %c0_i32, %c0_i32_0 : i32, i32
  }
  func.func @transform_1(%arg0: i32) -> i32 {
    %c0_i32 = arith.constant 0 : i32
    return %arg0 : i32
  }
  func.func @transform_2(%arg0: i32) -> i32 {
    %c0_i32 = arith.constant 0 : i32
    return %arg0 : i32
  }
}

</mosaic_0001>

<sc_bundles>
// kernel: occ_k1_gather_update.3.cloned.1.call-start
scs
__scs_entry_jumppad:
0x0: {  	(pc) =	sbr.rel $0x88, $3  }
0x1: {  	(tag) =	ssettag $0x0;
	lr =	simm.s32 $0x1  }
0x2: {  	[smem:$0x3F9E] =	sst lr;
	_ =	strace $0xD0000000  }
0x3: {  	_ = 	snop  }
0x4: {  	_ = 	snop  }
0x5: {  	_ = 	snop  }
0x6: {  	_ = 	snop  }
0x7: {  	_ = 	snop  }
__scs_overlays_trampoline_lowered:
0x8: {  	[smem:$0x3FAD] =	sst s0  }
0x9: {  	[smem:$0x3FAE] =	sst s1  }
0xa: {  	[smem:$0x3FAF] =	sst s2  }
0xb: {  	[smem:$0x3FB0] =	sst s3  }
0xc: {  	[smem:$0x3FB1] =	sst s4  }
0xd: {  	[smem:$0x3FB2] =	sst s5  }
0xe: {  	[smem:$0x3FB3] =	sst s6  }
0xf: {  	[smem:$0x3FB4] =	sst s7  }
0x10: {  	[smem:$0x3FB5] =	sst s8  }
0x11: {  	[smem:$0x3FB6] =	sst s9;
	s0 =	simm.s32 @!p0 $0x0  }
0x12: {  	s1 =	sld [smem:$0x3F9C];
	s0 =	simm.s32 @p0 $0x1  }
0x13: {  	[smem:$0x3FB7] =	sst s0;
	s0 =	simm.s32 @!p1 $0x0  }
0x14: {  	s2 =	sld [smem:$0x3F9B];
	s0 =	simm.s32 @p1 $0x1  }
0x15: {  	[smem:$0x3FB8] =	sst s0;
	s0 =	simm.s32 @!p2 $0x0  }
0x16: {  	s3 =	sld [smem:$0x3FDB];
	s0 =	simm.s32 @p2 $0x1  }
0x17: {  	s4 =	simm.s32 $0x1BF5;
	[smem:$0x3FBA] =	sst s0  }
0x18: {  	s0 =	sld [smem:$0x3F9D];
	_ =	swait.ge [sflag:s4], $0x0  }
0x19: {  	s7 =	sld [smem:$0x3F9E]  }
0x1a: {  	s8 =	sadd.s32 $0xFFFFE003, lr  }
0x1b: {  	s9 =	sadd.s32 $0xFFFFFEF7, lr;
	s5 =	simm.s32 $0xFFFFFFFF;
	p2 =	slt.u32 s8, $0xFFFFF086  }
0x1c: {  	p1 =	slt.u32 s9, $0xF7A;
	s5 =	simm.s32 @!p2 $0x0  }
0x1d: {  	s5 =	simm.s32 @p1 $0x1;
	p0 =	seq.s32 s7, s2  }
0x1e: {  	s7 =	smul.u32 @!p0 $0xF7A, s2;
	p2 =	seq.s32 @!p0 s5, $0x0  }
0x1f: {  	s9 =	smul.u32 $0xF7A, s1;
	s8 =	simm.s32 @!p0 $0x1BF5;
	p2 =	por !p2, p0  }
0x20: {  	[sflag:s8] =	ssyncset.s32 @!p0 $0xFFFFF086;
	s6 =	sadd.s32 @!p0 s3, s7;
	s7 =	simm.s32 @!p0 $0x108  }
0x21: {  	s3 =	sadd.s32 s3, s9;
	s6 =	sadd.s32 @!p0 $0x88, s6;
	s7 =	simm.s32 @p2 $0x1082  }
0x22: {  	[simem:s7], [sflag:s8] =	dma.local @!p0 [hbm:s6], $0xF7A  }
0x23: {  	s9 =	sor.u32 $0xD0000000, s2;
	s6 =	simm.s32 $0x108;
	_ =	swait.ge @!p0 [sflag:s8], $0x0  }
0x24: {  	s3 =	sadd.s32 $0x88, s3;
	s6 =	simm.s32 @!p1 $0x1082;
	[sflag:s4] =	ssyncset.s32 $0xFFFFF086  }
0x25: {  	[simem:s6], [sflag:s4] =	dma.local [hbm:s3], $0xF7A  }
0x26: {  	[smem:$0x3F9E] =	sst s1;
	(tag) =	ssettag s2;
	_ =	strace s9  }
0x27: {  	s1 =	sld [smem:$0x3FAE]  }
0x28: {  	s2 =	sld [smem:$0x3FAF]  }
0x29: {  	s4 =	sld [smem:$0x3FB1]  }
0x2a: {  	p0 =	seq.s32 s5, $0x0;
	s5 =	sld [smem:$0x3FB2]  }
0x2b: {  	s6 =	sld [smem:$0x3FB3]  }
0x2c: {  	s7 =	sld [smem:$0x3FB4]  }
0x2d: {  	s3 =	simm.s32 $0x108;
	s8 =	sld [smem:$0x3FB5]  }
0x2e: {  	s3 =	simm.s32 @!p0 $0x1082;
	s9 =	sld [smem:$0x3FB6]  }
0x2f: {  	lr =	sadd.s32 s0, s3;
	s0 =	sld [smem:$0x3FAD]  }
0x30: {  	s3 =	sld [smem:$0x3FB0]  }
0x31: {  	[smem:$0x3FB9] =	sst s10  }
0x32: {  	s10 =	sld [smem:$0x3FB7];
	_ =	sdelay $0x3  }
0x33: {  	p0 =	seq.s32 s10, $0x1;
	s10 =	sld [smem:$0x3FB9];
	_ =	sdelay $0x3  }
0x34: {  	[smem:$0x3FB9] =	sst s10  }
0x35: {  	s10 =	sld [smem:$0x3FB8];
	_ =	sdelay $0x3  }
0x36: {  	p1 =	seq.s32 s10, $0x1;
	s10 =	sld [smem:$0x3FB9];
	_ =	sdelay $0x3  }
0x37: {  	[smem:$0x3FB9] =	sst s10  }
0x38: {  	s10 =	sld [smem:$0x3FBA]  }
0x39: {  	_ = 	snop;
	(pc) =	sbr.ind lr, $3  }
0x3a: {  	_ = 	snop  }
0x3b: {  	_ = 	snop  }
0x3c: {  	p2 =	seq.s32 s10, $0x1;
	s10 =	sld [smem:$0x3FB9]  }
0x3d: {  	_ =	shalt  }
0x3e: {  	_ =	shalt  }
0x3f: {  	_ =	shalt  }
0x40: {  	_ =	shalt  }
0x41: {  	_ =	shalt  }
0x42: {  	_ =	shalt  }
0x43: {  	_ =	shalt  }
0x44: {  	_ =	shalt  }
0x45: {  	_ =	shalt  }
0x46: {  	_ =	shalt  }
0x47: {  	_ =	shalt  }
0x48: {  	_ =	shalt  }
0x49: {  	_ =	shalt  }
0x4a: {  	_ =	shalt  }
0x4b: {  	_ =	shalt  }
0x4c: {  	_ =	shalt  }
0x4d: {  	_ =	shalt  }
0x4e: {  	_ =	shalt  }
0x4f: {  	_ =	shalt  }
0x50: {  	_ =	shalt  }
0x51: {  	_ =	shalt  }
0x52: {  	_ =	shalt  }
0x53: {  	_ =	shalt  }
0x54: {  	_ =	shalt  }
0x55: {  	_ =	shalt  }
0x56: {  	_ =	shalt  }
0x57: {  	_ =	shalt  }
0x58: {  	_ =	shalt  }
0x59: {  	_ =	shalt  }
0x5a: {  	_ =	shalt  }
0x5b: {  	_ =	shalt  }
0x5c: {  	_ =	shalt  }
0x5d: {  	_ =	shalt  }
0x5e: {  	_ =	shalt  }
0x5f: {  	_ =	shalt  }
0x60: {  	_ =	shalt  }
0x61: {  	_ =	shalt  }
0x62: {  	_ =	shalt  }
0x63: {  	_ =	shalt  }
0x64: {  	_ =	shalt  }
0x65: {  	_ =	shalt  }
0x66: {  	_ =	shalt  }
0x67: {  	_ =	shalt  }
0x68: {  	_ =	shalt  }
0x69: {  	_ =	shalt  }
0x6a: {  	_ =	shalt  }
0x6b: {  	_ =	shalt  }
0x6c: {  	_ =	shalt  }
0x6d: {  	_ =	shalt  }
0x6e: {  	_ =	shalt  }
0x6f: {  	_ =	shalt  }
0x70: {  	_ =	shalt  }
0x71: {  	_ =	shalt  }
0x72: {  	_ =	shalt  }
0x73: {  	_ =	shalt  }
0x74: {  	_ =	shalt  }
0x75: {  	_ =	shalt  }
0x76: {  	_ =	shalt  }
0x77: {  	_ =	shalt  }
0x78: {  	_ =	shalt  }
0x79: {  	_ =	shalt  }
0x7a: {  	_ =	shalt  }
0x7b: {  	_ =	shalt  }
0x7c: {  	_ =	shalt  }
0x7d: {  	_ =	shalt  }
0x7e: {  	_ =	shalt  }
0x7f: {  	_ =	shalt  }
0x80: {  	_ =	shalt  }
0x81: {  	_ =	shalt  }
0x82: {  	_ =	shalt  }
0x83: {  	_ =	shalt  }
0x84: {  	_ =	shalt  }
0x85: {  	_ =	shalt  }
0x86: {  	_ =	shalt  }
0x87: {  	_ =	shalt  }
.Lfunc_end0:
.L_simem_size_0:
called_computation_lowered:
.L_overlay_start_0:
0x88: {  	s2 =	sld [smem:$0x3FD9]  }
0x89: {  	s3 =	sld [smem:$0x3FFE];
	_ =	sdelay $0x1  }
0x8a: {  	s1 =	srdreg.scid  }
0x8b: {  	s0 =	sand.u32 $0x1, s1  }
0x8c: {  	s15 =	sshll.u32 s0, $0xA;
	s2 =	sadd.s32 s3, s2  }
0x8d: {  	s2 =	sadd.s32 s2, s15  }
0x8e: {  	[smem:$0x3FC5] =	sst s2  }
0x8f: {  	_ = 	snop  }
0x90: {  	s2 =	sld [smem:$0x3FD0]  }
0x91: {  	s16 =	sld [smem:$0x3FC9]  }
0x92: {  	s4 =	sld [smem:$0x3FC8]  }
0x93: {  	s6 =	simm.s32 $0xA;
	s7 =	simm.s32 $0x10;
	s5 =	sld [smem:$0x3FC7]  }
0x94: {  	[smem:s7], [sflag:s6] =	dma.local [hbm:s2], $0x1  }
0x95: {  	_ =	swait.eq [sflag:s6], $0x1  }
0x96: {  	[sflag:s6] =	ssyncset.done $0x0  }
0x97: {  	[sflag:s6] =	ssyncadd.s32 $0xFFFFFFFF  }
0x98: {  	s17 =	sld [smem:$0x10];
	(tm) =	ssettm $0x1  }
0x99: {  	s18 =	sld [smem:$0x3FFB];
	_ =	sdelay $0x3  }
0x9a: {  	_ =	strace s18  }
0x9b: {  	s6 =	sld [smem:$0x3FFC];
	_ =	sdelay $0x3  }
0x9c: {  	_ =	strace s6  }
0x9d: {  	s6 =	sld [smem:$0x3FFD];
	_ =	sdelay $0x3  }
0x9e: {  	_ =	strace s6  }
0x9f: {  	_ =	strace $0x8FFFFFFF  }
0xa0: {  	s19 =	sld [smem:$0x3FDB];
	_ =	sdelay $0x1  }
0xa1: {  	s20 =	simm.s32 $_scs_section_size  }
0xa2: {  	s8 =	simm.s32 $_size__tile_overlayer_lowered;
	s9 =	simm.s32 $_tile_overlayer_lowered  }
0xa3: {  	s23 =	simm.s32 $0x1BFF;
	s22 =	sshll.u32 s9, $0x1;
	s6 =	sadd.s32 s20, s19  }
0xa4: {  	s10 =	simm.s32 $0x0;
	s21 =	sshll.u32 s8, $0x1;
	s8 =	sadd.s32 s22, s6  }
0xa5: {  	[timem:s10], [sflag:s23] =	dma.local [hbm:s8], s21  }
0xa6: {  	_ =	swait.ge [sflag:s23], s21  }
0xa7: {  	s7 =	ssub.s32 $0x0, s21;
	[sflag:s23] =	ssyncset.done $0x0  }
0xa8: {  	[sflag:s23] =	ssyncadd.s32 s7;
	_ =	sdelay $0x1  }
0xa9: {  	s24 =	simm.s32 $0x1B8B  }
0xaa: {  	_ =	swait.ge [sflag:s24], $0x1  }
0xab: {  	[sflag:s24] =	ssyncset.done $0x0  }
0xac: {  	s25 =	simm.s32 $0x1B8E;
	[sflag:s24] =	ssyncadd.s32 $0xFFFFFFFF  }
0xad: {  	s26 =	simm.s32 $execute0_lowered;
	[smem:$0x3FD2] =	sst s25  }
0xae: {  	s7 =	sshll.u32 s26, $0x1;
	_ =	strace $0x80000046;
	[dreg:$0x1] =	wrdreg $0xFFFFFFFF  }
0xaf: {  	s28 =	simm.s32 $_size_execute0_lowered;
	s6 =	sadd.s32 s6, s7;
	[dreg:$0x0] =	wrdreg $0x0  }
0xb0: {  	s7 =	sshll.u32 s28, $0x1;
	[dreg:$0x2] =	wrdreg s6  }
0xb1: {  	[dreg:$0x3] =	wrdreg s7  }
0xb2: {  	[dreg:$0x4] =	wrdreg $0xC0  }
0xb3: {  	_ =	task [dreg:s10], $0x5FFFF  }
0xb4: {  	[dreg:$0x1] =	wrdreg $0xFFFFFFFF  }
0xb5: {  	[dreg:$0x0] =	wrdreg $0x60  }
0xb6: {  	[dreg:$0x2] =	wrdreg s16  }
0xb7: {  	[dreg:$0x3] =	wrdreg s4  }
0xb8: {  	[dreg:$0x4] =	wrdreg s5  }
0xb9: {  	[dreg:$0x5] =	wrdreg s17  }
0xba: {  	[dreg:$0x6] =	wrdreg $0x9  }
0xbb: {  	_ =	task.clear_ibuf [dreg:s10], $0x7FFFF;
	_ =	strace $0x90000046  }
0xbc: {  	s29 =	simm.s32 $0x9;
	_ =	strace $0x80000048  }
0xbd: {  	_ =	swait.ge [sflag:s29], $0x1  }
0xbe: {  	[sflag:s29] =	ssyncadd.s32 $0xFFFFFFFF  }
0xbf: {  	_ =	strace $0x90000048  }
0xc0: {  	_ =	sfence  }
0xc1: {  	s30 =	sld [smem:$0x0];
	_ =	sdelay $0x2  }
0xc2: {  	s31 =	sshll.u32 s1, $0xD;
	s1 =	sshrl.u32 s1, $0x2  }
0xc3: {  	s3 =	sand.u32 $0x4000, s31;
	s1 =	sadd.s32 s1, s30  }
0xc4: {  	s0 =	sor.u32 s3, s0;
	s1 =	sshll.u32 s1, $0x11  }
0xc5: {  	s0 =	sor.u32 s1, s0  }
0xc6: {  	s0 =	sadd.s32 $0x8F2B, s0  }
0xc7: {  	[sflag:s0] =	ssyncadd.remote.s32 $0x1  }
0xc8: {  	_ =	sfence.sel $0xFFFF  }
0xc9: {  	[dreg:$0x0] =	wrdreg $0xFFFFFFFF;
	(pc) =	sbr.abs _section_cstart, $3  }
0xca: {  	[dreg:$0x1] =	wrdreg $0xFFFFFFFF  }
0xcb: {  	_ =	task.clear_ibuf [dreg:s10], $0x2FFFF;
	_ =	strace $0x9FFFFFFF  }
0xcc: {  	(tm) =	ssettm $0x7FFFFFFF  }
0xcd: {  	_ =	shalt  }
tec
execute0_lowered:
.L_overlay_start_1:
0x0: {  	(tag) =	ssettag $0x1  }
0x1: {  	s1 =	rddreg [dreg:$0x0]  }
0x2: {  	s2 =	rddreg [dreg:$0x1]  }
0x3: {  	s3 =	rddreg [dreg:$0x2]  }
0x4: {  	s0 =	srdreg.scid;
	s4 =	rddreg [dreg:$0x3];
	s6 =	simm.s32 $0x0  }
0x5: {  	s5 =	stileid.u32;
	s10 =	simm.s32 $0x2000;
	s11 =	simm.s32 $0x4000  }
0x6: {  	s12 =	simm.s32 $0x1;
	s13 =	simm.s32 $0x6000;
	s7 =	sand.u32 $0x1, s0  }
0x7: {  	s14 =	simm.s32 $0x0;
	s0 =	rddreg [dreg:$0x4];
	s8 =	ssub.s32 $0x2, s7  }
0x8: {  	[smem:$0x7FF] =	sst s6;
	s31 =	sshll.u32 s5, $0xF;
	s9 =	sshrl.u32 s8, $0x1  }
0x9: {  	s7 =	sshll.u32 s7, $0xE;
	_ =	strace $0x80000047;
	s8 =	ssub.s32 s8, s9  }
0xa: {  	s7 =	sor.u32 s7, s31;
	s9 =	simm.s32 $0x2;
	s8 =	smax.u32 s8, $0x1  }
.LBB2_1:
0xb: {  	s15 =	simm.s32 $0x0  }
.LBB2_2:
0xc: {  	s16 =	sshll.u32 s15, $0xA  }
0xd: {  	s16 =	sadd.s32 s7, s16  }
0xe: {  	s18 =	simm.s32 $0x0;
	s17 =	sadd.s32 s2, s16  }
0xf: {  	[tilespmem:s18], [sflag:$0x2] =	stream.linear.gather [hbm4b:s17+s18], $0x2000, $0x38;
	[tilespmem:$0x8000] =	vst v63  }
0x10: {  	_ =	swait.ge [sflag:s9], $0x2000  }
0x11: {  	[sflag:s9] =	ssyncset.done $0x0  }
0x12: {  	s31 =	sadd.s32 s3, s16;
	[sflag:s9] =	ssyncadd.s32 $0xFFFFE000  }
0x13: {  	[tilespmem:s10], [sflag:$0x2] =	stream.linear.gather [hbm4b:s31+s18], $0x2000, $0x38;
	[tilespmem:$0x8000] =	vst v63  }
0x14: {  	_ =	swait.ge [sflag:s9], $0x2000  }
0x15: {  	[sflag:s9] =	ssyncset.done $0x0  }
0x16: {  	[sflag:s9] =	ssyncadd.s32 $0xFFFFE000  }
0x17: {  	[tilespmem:s11], [sflag:$0x1] =	stream.indirect.gather [hbm4b:s1+s10], $0x1, s18, s10, $0xb8;
	[tilespmem:$0x8000] =	vst v63  }
0x18: {  	_ =	swait.ge [sflag:s12], $0x2000  }
0x19: {  	[sflag:s12] =	ssyncset.done $0x0  }
0x1a: {  	s17 =	simm.s32 $0x0;
	[sflag:s12] =	ssyncadd.s32 $0xFFFFE000  }
0x1b: {  	v0 =	vld [tilespmem:s17+$0x4000]  }
0x1c: {  	s18 =	simm.s32 $0x40;
	v1 =	vld [tilespmem:s17+$0x2000]  }
.LBB2_3:
0x1d: {  	_ = 	snop  }
0x1e: {  	p0 =	sne.s32 s18, $0x7FC0  }
.Ltmp0:
0x1f: {  	_ = 	snop;
	(pc) =	sbr.rel @p0 .LBB2_3-.Ltmp0, $4  }
0x20: {  	v2 =	vmul.f32 $9.499999880e-01, v0  }
0x21: {  	s19 =	sshra.s32 s18, $0x2  }
0x22: {  	v0 =	vld [tilespmem:s19+$0x4000];
	v2 =	vmax.f32 v2, v1  }
0x23: {  	s18 =	sadd.s32 $0x40, s18;
	v1 =	vld [tilespmem:s19+$0x2000];
	[tilespmem:s17+$0x6000] =	vst v2;
	s17 =	smov.u32 s19  }
0x24: {  	_ =	sdelay $0x2  }
0x25: {  	v0 =	vmul.f32 $9.499999880e-01, v0  }
0x26: {  	s15 =	sadd.s32 $0x1, s15  }
0x27: {  	p0 =	sne.s32 s15, $0x10;
	v0 =	vmax.f32 v0, v1  }
.Ltmp1:
0x28: {  	s16 =	sadd.s32 s4, s16;
	[tilespmem:s17+$0x6000] =	vst v0;
	(pc) =	sbr.rel @p0 .LBB2_2-.Ltmp1, $4  }
0x29: {  	[hbm4b:s16+s6] =	stream.linear.scatter [tilespmem:s13], [sflag:$0x2], $0x2000, $0x38;
	[tilespmem:$0x8000] =	vst v63  }
0x2a: {  	_ =	swait.ge [sflag:s9], $0x2000  }
0x2b: {  	[sflag:s9] =	ssyncset.done $0x0  }
0x2c: {  	[sflag:s9] =	ssyncadd.s32 $0xFFFFE000  }
0x2d: {  	s14 =	sadd.s32 $0x1, s14  }
0x2e: {  	p0 =	sne.s32 s14, s8  }
.Ltmp2:
0x2f: {  	_ = 	snop;
	(pc) =	sbr.rel @p0 .LBB2_1-.Ltmp2, $1  }
0x30: {  	_ =	sdelay $0x3  }
0x31: {  	_ =	sfence.sel $0x180000  }
0x32: {  	[bflag:$0x0] =	sbarrier.arrive $0xFFFF  }
0x33: {  	p0 =	sne.s32 s5, $0x0;
	_ =	strace $0x90000047  }
0x34: {  	s0 =	sadd.s32 @!p0 $0x100000, s0;
	[bflag:$0x2] =	sbarrier.arrive $0xFFFF  }
0x35: {  	[sflag:s0] =	ssyncadd.tile.s32 @!p0 $0x1;
	_ =	shalt  }
.Lfunc_end2:
_tile_overlayer_lowered:
.L_overlay_start_2:
0x36: {  	(tag) =	ssettag $0x2  }
0x37: {  	s0 =	rddreg [dreg:$0x0];
	s2 =	stileid.u32  }
0x38: {  	s1 =	rddreg [dreg:$0x1];
	p0 =	sne.s32 s2, $0x0  }
0x39: {  	s3 =	rddreg [dreg:$0x2];
	[bflag:$0x3] =	sbarrier.arrive $0xFFFF;
	s2 =	simm.s32 @!p0 $0x1C02  }
0x3a: {  	[timem:s3], [sflag:s2] =	dma.local @!p0 [hbm:s0], s1  }
0x3b: {  	s0 =	simm.s32 @!p0 $0x2  }
0x3c: {  	_ =	swait.ge @!p0 [sflag:s0], s1  }
0x3d: {  	s1 =	ssub.s32 @!p0 $0x0, s1;
	[sflag:s0] =	ssyncset.done @!p0 $0x0  }
0x3e: {  	[sflag:s0] =	ssyncadd.s32 @!p0 s1  }
0x3f: {  	[bflag:$0x3] =	sbarrier.arrive $0xFFFF  }
0x40: {  	_ =	shalt  }

// kernel: occ_k4_sorted_scatter.3.cloned.1.call-start
scs
__scs_entry_jumppad:
0x0: {  	(pc) =	sbr.rel $0x88, $3  }
0x1: {  	(tag) =	ssettag $0x0;
	lr =	simm.s32 $0x1  }
0x2: {  	[smem:$0x3F9E] =	sst lr;
	_ =	strace $0xD0000000  }
0x3: {  	_ = 	snop  }
0x4: {  	_ = 	snop  }
0x5: {  	_ = 	snop  }
0x6: {  	_ = 	snop  }
0x7: {  	_ = 	snop  }
__scs_overlays_trampoline_lowered:
0x8: {  	[smem:$0x3FAD] =	sst s0  }
0x9: {  	[smem:$0x3FAE] =	sst s1  }
0xa: {  	[smem:$0x3FAF] =	sst s2  }
0xb: {  	[smem:$0x3FB0] =	sst s3  }
0xc: {  	[smem:$0x3FB1] =	sst s4  }
0xd: {  	[smem:$0x3FB2] =	sst s5  }
0xe: {  	[smem:$0x3FB3] =	sst s6  }
0xf: {  	[smem:$0x3FB4] =	sst s7  }
0x10: {  	[smem:$0x3FB5] =	sst s8  }
0x11: {  	[smem:$0x3FB6] =	sst s9;
	s0 =	simm.s32 @!p0 $0x0  }
0x12: {  	s1 =	sld [smem:$0x3F9C];
	s0 =	simm.s32 @p0 $0x1  }
0x13: {  	[smem:$0x3FB7] =	sst s0;
	s0 =	simm.s32 @!p1 $0x0  }
0x14: {  	s2 =	sld [smem:$0x3F9B];
	s0 =	simm.s32 @p1 $0x1  }
0x15: {  	[smem:$0x3FB8] =	sst s0;
	s0 =	simm.s32 @!p2 $0x0  }
0x16: {  	s3 =	sld [smem:$0x3FDB];
	s0 =	simm.s32 @p2 $0x1  }
0x17: {  	s4 =	simm.s32 $0x1BF5;
	[smem:$0x3FBA] =	sst s0  }
0x18: {  	s0 =	sld [smem:$0x3F9D];
	_ =	swait.ge [sflag:s4], $0x0  }
0x19: {  	s7 =	sld [smem:$0x3F9E]  }
0x1a: {  	s8 =	sadd.s32 $0xFFFFE003, lr  }
0x1b: {  	s9 =	sadd.s32 $0xFFFFFEF7, lr;
	s5 =	simm.s32 $0xFFFFFFFF;
	p2 =	slt.u32 s8, $0xFFFFF086  }
0x1c: {  	p1 =	slt.u32 s9, $0xF7A;
	s5 =	simm.s32 @!p2 $0x0  }
0x1d: {  	s5 =	simm.s32 @p1 $0x1;
	p0 =	seq.s32 s7, s2  }
0x1e: {  	s7 =	smul.u32 @!p0 $0xF7A, s2;
	p2 =	seq.s32 @!p0 s5, $0x0  }
0x1f: {  	s9 =	smul.u32 $0xF7A, s1;
	s8 =	simm.s32 @!p0 $0x1BF5;
	p2 =	por !p2, p0  }
0x20: {  	[sflag:s8] =	ssyncset.s32 @!p0 $0xFFFFF086;
	s6 =	sadd.s32 @!p0 s3, s7;
	s7 =	simm.s32 @!p0 $0x108  }
0x21: {  	s3 =	sadd.s32 s3, s9;
	s6 =	sadd.s32 @!p0 $0x88, s6;
	s7 =	simm.s32 @p2 $0x1082  }
0x22: {  	[simem:s7], [sflag:s8] =	dma.local @!p0 [hbm:s6], $0xF7A  }
0x23: {  	s9 =	sor.u32 $0xD0000000, s2;
	s6 =	simm.s32 $0x108;
	_ =	swait.ge @!p0 [sflag:s8], $0x0  }
0x24: {  	s3 =	sadd.s32 $0x88, s3;
	s6 =	simm.s32 @!p1 $0x1082;
	[sflag:s4] =	ssyncset.s32 $0xFFFFF086  }
0x25: {  	[simem:s6], [sflag:s4] =	dma.local [hbm:s3], $0xF7A  }
0x26: {  	[smem:$0x3F9E] =	sst s1;
	(tag) =	ssettag s2;
	_ =	strace s9  }
0x27: {  	s1 =	sld [smem:$0x3FAE]  }
0x28: {  	s2 =	sld [smem:$0x3FAF]  }
0x29: {  	s4 =	sld [smem:$0x3FB1]  }
0x2a: {  	p0 =	seq.s32 s5, $0x0;
	s5 =	sld [smem:$0x3FB2]  }
0x2b: {  	s6 =	sld [smem:$0x3FB3]  }
0x2c: {  	s7 =	sld [smem:$0x3FB4]  }
0x2d: {  	s3 =	simm.s32 $0x108;
	s8 =	sld [smem:$0x3FB5]  }
0x2e: {  	s3 =	simm.s32 @!p0 $0x1082;
	s9 =	sld [smem:$0x3FB6]  }
0x2f: {  	lr =	sadd.s32 s0, s3;
	s0 =	sld [smem:$0x3FAD]  }
0x30: {  	s3 =	sld [smem:$0x3FB0]  }
0x31: {  	[smem:$0x3FB9] =	sst s10  }
0x32: {  	s10 =	sld [smem:$0x3FB7];
	_ =	sdelay $0x3  }
0x33: {  	p0 =	seq.s32 s10, $0x1;
	s10 =	sld [smem:$0x3FB9];
	_ =	sdelay $0x3  }
0x34: {  	[smem:$0x3FB9] =	sst s10  }
0x35: {  	s10 =	sld [smem:$0x3FB8];
	_ =	sdelay $0x3  }
0x36: {  	p1 =	seq.s32 s10, $0x1;
	s10 =	sld [smem:$0x3FB9];
	_ =	sdelay $0x3  }
0x37: {  	[smem:$0x3FB9] =	sst s10  }
0x38: {  	s10 =	sld [smem:$0x3FBA]  }
0x39: {  	_ = 	snop;
	(pc) =	sbr.ind lr, $3  }
0x3a: {  	_ = 	snop  }
0x3b: {  	_ = 	snop  }
0x3c: {  	p2 =	seq.s32 s10, $0x1;
	s10 =	sld [smem:$0x3FB9]  }
0x3d: {  	_ =	shalt  }
0x3e: {  	_ =	shalt  }
0x3f: {  	_ =	shalt  }
0x40: {  	_ =	shalt  }
0x41: {  	_ =	shalt  }
0x42: {  	_ =	shalt  }
0x43: {  	_ =	shalt  }
0x44: {  	_ =	shalt  }
0x45: {  	_ =	shalt  }
0x46: {  	_ =	shalt  }
0x47: {  	_ =	shalt  }
0x48: {  	_ =	shalt  }
0x49: {  	_ =	shalt  }
0x4a: {  	_ =	shalt  }
0x4b: {  	_ =	shalt  }
0x4c: {  	_ =	shalt  }
0x4d: {  	_ =	shalt  }
0x4e: {  	_ =	shalt  }
0x4f: {  	_ =	shalt  }
0x50: {  	_ =	shalt  }
0x51: {  	_ =	shalt  }
0x52: {  	_ =	shalt  }
0x53: {  	_ =	shalt  }
0x54: {  	_ =	shalt  }
0x55: {  	_ =	shalt  }
0x56: {  	_ =	shalt  }
0x57: {  	_ =	shalt  }
0x58: {  	_ =	shalt  }
0x59: {  	_ =	shalt  }
0x5a: {  	_ =	shalt  }
0x5b: {  	_ =	shalt  }
0x5c: {  	_ =	shalt  }
0x5d: {  	_ =	shalt  }
0x5e: {  	_ =	shalt  }
0x5f: {  	_ =	shalt  }
0x60: {  	_ =	shalt  }
0x61: {  	_ =	shalt  }
0x62: {  	_ =	shalt  }
0x63: {  	_ =	shalt  }
0x64: {  	_ =	shalt  }
0x65: {  	_ =	shalt  }
0x66: {  	_ =	shalt  }
0x67: {  	_ =	shalt  }
0x68: {  	_ =	shalt  }
0x69: {  	_ =	shalt  }
0x6a: {  	_ =	shalt  }
0x6b: {  	_ =	shalt  }
0x6c: {  	_ =	shalt  }
0x6d: {  	_ =	shalt  }
0x6e: {  	_ =	shalt  }
0x6f: {  	_ =	shalt  }
0x70: {  	_ =	shalt  }
0x71: {  	_ =	shalt  }
0x72: {  	_ =	shalt  }
0x73: {  	_ =	shalt  }
0x74: {  	_ =	shalt  }
0x75: {  	_ =	shalt  }
0x76: {  	_ =	shalt  }
0x77: {  	_ =	shalt  }
0x78: {  	_ =	shalt  }
0x79: {  	_ =	shalt  }
0x7a: {  	_ =	shalt  }
0x7b: {  	_ =	shalt  }
0x7c: {  	_ =	shalt  }
0x7d: {  	_ =	shalt  }
0x7e: {  	_ =	shalt  }
0x7f: {  	_ =	shalt  }
0x80: {  	_ =	shalt  }
0x81: {  	_ =	shalt  }
0x82: {  	_ =	shalt  }
0x83: {  	_ =	shalt  }
0x84: {  	_ =	shalt  }
0x85: {  	_ =	shalt  }
0x86: {  	_ =	shalt  }
0x87: {  	_ =	shalt  }
.Lfunc_end0:
.L_simem_size_0:
called_computation.1_lowered:
.L_overlay_start_0:
0x88: {  	s2 =	sld [smem:$0x3FD9]  }
0x89: {  	s3 =	sld [smem:$0x3FFE];
	_ =	sdelay $0x1  }
0x8a: {  	s1 =	srdreg.scid  }
0x8b: {  	s0 =	sand.u32 $0x1, s1  }
0x8c: {  	s14 =	sshll.u32 s0, $0xA;
	s2 =	sadd.s32 s3, s2  }
0x8d: {  	s2 =	sadd.s32 s2, s14  }
0x8e: {  	[smem:$0x3FC5] =	sst s2  }
0x8f: {  	_ = 	snop  }
0x90: {  	s2 =	sld [smem:$0x3FD0];
	_ =	sdelay $0x2  }
0x91: {  	s15 =	simm.s32 $0xA;
	s4 =	simm.s32 $0x10  }
0x92: {  	[smem:s4], [sflag:s15] =	dma.local [hbm:s2], $0x1  }
0x93: {  	_ =	swait.eq [sflag:s15], $0x1  }
0x94: {  	[sflag:s15] =	ssyncset.done $0x0  }
0x95: {  	s16 =	sld [smem:$0x10];
	[sflag:s15] =	ssyncadd.s32 $0xFFFFFFFF  }
0x96: {  	s17 =	sld [smem:$0x11];
	(tm) =	ssettm $0x1  }
0x97: {  	s18 =	sld [smem:$0x3FFB];
	_ =	sdelay $0x3  }
0x98: {  	_ =	strace s18  }
0x99: {  	s4 =	sld [smem:$0x3FFC];
	_ =	sdelay $0x3  }
0x9a: {  	_ =	strace s4  }
0x9b: {  	s4 =	sld [smem:$0x3FFD];
	_ =	sdelay $0x3  }
0x9c: {  	_ =	strace s4  }
0x9d: {  	_ =	strace $0x8FFFFFFF  }
0x9e: {  	s19 =	sld [smem:$0x3FDB];
	_ =	sdelay $0x1  }
0x9f: {  	s5 =	simm.s32 $_scs_section_size  }
0xa0: {  	s6 =	simm.s32 $_size__tile_overlayer_lowered;
	s7 =	simm.s32 $_tile_overlayer_lowered  }
0xa1: {  	s22 =	simm.s32 $0x1BFF;
	s21 =	sshll.u32 s7, $0x1;
	s4 =	sadd.s32 s5, s19  }
0xa2: {  	s8 =	simm.s32 $0x0;
	s20 =	sshll.u32 s6, $0x1;
	s6 =	sadd.s32 s21, s4  }
0xa3: {  	[timem:s8], [sflag:s22] =	dma.local [hbm:s6], s20  }
0xa4: {  	_ =	swait.ge [sflag:s22], s20  }
0xa5: {  	s5 =	ssub.s32 $0x0, s20;
	[sflag:s22] =	ssyncset.done $0x0  }
0xa6: {  	[sflag:s22] =	ssyncadd.s32 s5;
	_ =	sdelay $0x1  }
0xa7: {  	s23 =	simm.s32 $0x1B8B  }
0xa8: {  	_ =	swait.ge [sflag:s23], $0x1  }
0xa9: {  	[sflag:s23] =	ssyncset.done $0x0  }
0xaa: {  	s25 =	simm.s32 $0x1B8E;
	s24 =	sld [smem:$0x3FFE];
	[sflag:s23] =	ssyncadd.s32 $0xFFFFFFFF  }
0xab: {  	s26 =	simm.s32 $execute0_lowered;
	[smem:$0x3FD2] =	sst s25  }
0xac: {  	s6 =	sshll.u32 s26, $0x1;
	_ =	strace $0x80000049;
	[dreg:$0x1] =	wrdreg $0xFFFFFFFF  }
0xad: {  	s28 =	simm.s32 $_size_execute0_lowered;
	s4 =	sadd.s32 s4, s6;
	[dreg:$0x0] =	wrdreg $0x0  }
0xae: {  	s6 =	sshll.u32 s28, $0x1;
	[dreg:$0x2] =	wrdreg s4  }
0xaf: {  	[dreg:$0x3] =	wrdreg s6  }
0xb0: {  	[dreg:$0x4] =	wrdreg $0xC0  }
0xb1: {  	_ =	task [dreg:s8], $0x5FFFF  }
0xb2: {  	[dreg:$0x1] =	wrdreg $0xFFFFFFFF  }
0xb3: {  	[dreg:$0x0] =	wrdreg $0x60  }
0xb4: {  	[dreg:$0x2] =	wrdreg s17  }
0xb5: {  	[dreg:$0x3] =	wrdreg s16  }
0xb6: {  	[dreg:$0x4] =	wrdreg s24  }
0xb7: {  	[dreg:$0x5] =	wrdreg $0x9  }
0xb8: {  	_ =	task.clear_ibuf [dreg:s8], $0x6FFFF;
	_ =	strace $0x90000049  }
0xb9: {  	s29 =	simm.s32 $0x9;
	_ =	strace $0x8000004B  }
0xba: {  	_ =	swait.ge [sflag:s29], $0x1  }
0xbb: {  	[sflag:s29] =	ssyncadd.s32 $0xFFFFFFFF  }
0xbc: {  	_ =	strace $0x9000004B  }
0xbd: {  	_ =	sfence  }
0xbe: {  	s30 =	sld [smem:$0x0];
	_ =	sdelay $0x2  }
0xbf: {  	s31 =	sshll.u32 s1, $0xD;
	s1 =	sshrl.u32 s1, $0x2  }
0xc0: {  	s3 =	sand.u32 $0x4000, s31;
	s1 =	sadd.s32 s1, s30  }
0xc1: {  	s0 =	sor.u32 s3, s0;
	s1 =	sshll.u32 s1, $0x11  }
0xc2: {  	s0 =	sor.u32 s1, s0  }
0xc3: {  	s0 =	sadd.s32 $0x8F2B, s0  }
0xc4: {  	[sflag:s0] =	ssyncadd.remote.s32 $0x1  }
0xc5: {  	_ =	sfence.sel $0xFFFF  }
0xc6: {  	[dreg:$0x0] =	wrdreg $0xFFFFFFFF;
	(pc) =	sbr.abs _section_cstart, $3  }
0xc7: {  	[dreg:$0x1] =	wrdreg $0xFFFFFFFF  }
0xc8: {  	_ =	task.clear_ibuf [dreg:s8], $0x2FFFF;
	_ =	strace $0x9FFFFFFF  }
0xc9: {  	(tm) =	ssettm $0x7FFFFFFF  }
tec
execute0_lowered:
.L_overlay_start_1:
0x0: {  	(tag) =	ssettag $0x1  }
0x1: {  	s1 =	rddreg [dreg:$0x0]  }
0x2: {  	s2 =	rddreg [dreg:$0x1]  }
0x3: {  	s5 =	rddreg [dreg:$0x2]  }
0x4: {  	s0 =	rddreg [dreg:$0x3];
	s3 =	simm.s32 $0x0;
	s4 =	srdreg.scid  }
0x5: {  	[smem:$0x7FF] =	sst s3;
	s6 =	sand.u32 $0x1, s4  }
0x6: {  	s4 =	stileid.u32;
	s5 =	sadd.s32 $0x1200, s5;
	_ =	strace $0x8000004A  }
0x7: {  	s7 =	ssub.s32 $0x2, s6;
	s9 =	sshll.u32 s4, $0x12;
	s10 =	sshll.u32 s6, $0x11  }
0x8: {  	s11 =	sshll.u32 s4, $0xE;
	s12 =	sshll.u32 s6, $0xD;
	s8 =	sshrl.u32 s7, $0x1  }
0x9: {  	s6 =	sor.u32 s10, s9;
	s31 =	sor.u32 s12, s11;
	s9 =	simm.s32 $0x2  }
0xa: {  	s10 =	simm.s32 $0x2080;
	s11 =	simm.s32 $0x1;
	s7 =	ssub.s32 s7, s8  }
0xb: {  	v0 =	vlaneseq.u32;
	s12 =	simm.s32 $0x0;
	s8 =	sor.u32 $0x1000000, s31;
	s7 =	smax.u32 s7, $0x1  }
.LBB2_1:
0xc: {  	s13 =	simm.s32 $0x0  }
.LBB2_2:
0xd: {  	s14 =	sshll.u32 s13, $0xD  }
0xe: {  	s15 =	sadd.s32 s6, s14  }
0xf: {  	s14 =	sshrl.u32 s15, $0x3  }
0x10: {  	s16 =	sadd.s32 s1, s14  }
0x11: {  	[tilespmem:s3], [sflag:$0x2] =	stream.linear.gather [hbm4b:s16+s3], $0x2000, $0x38;
	[tilespmem:$0x6080] =	vst v63  }
0x12: {  	_ =	swait.ge [sflag:s9], $0x2000  }
0x13: {  	[sflag:s9] =	ssyncset.done $0x0  }
0x14: {  	s28 =	sadd.s32 s2, s14;
	[sflag:s9] =	ssyncadd.s32 $0xFFFFE000  }
0x15: {  	[tilespmem:s10], [sflag:$0x2] =	stream.linear.gather [hbm4b:s28+s3], $0x2000, $0x38;
	[tilespmem:$0x6080] =	vst v63  }
0x16: {  	p0 =	sgt.u32 s15, $0x3FDFFF;
	_ =	swait.ge [sflag:s9], $0x2000  }
0x17: {  	s15 =	sshrl.u32 @!p0 s15, $0x3;
	[sflag:s9] =	ssyncset.done $0x0  }
0x18: {  	s18 =	simm.s32 $0x1;
	v1 =	vimm.s32 @p0 $0xFFFFFFFF;
	s15 =	sadd.s32 @!p0 s1, s15;
	[sflag:s9] =	ssyncadd.s32 $0xFFFFE000  }
0x19: {  	s17 =	simm.s32 @!p0 $0x2000;
	s16 =	simm.s32 @!p0 $0x0;
	s15 =	sadd.s32 @!p0 $0x400, s15;
	[tilespmem:$0x2000] =	vst @p0 v1  }
0x1a: {  	v1 =	vadd.s32 s18, v0;
	[tilespmem:s17], [sflag:$0x2] =	stream.linear.gather @!p0 [hbm4b:s15+s16], $0x10, $0x38;
	[tilespmem:$0x6080] =	vst v63  }
0x1b: {  	s15 =	simm.s32 @!p0 $0x2  }
0x1c: {  	_ =	swait.ge @!p0 [sflag:s15], $0x10  }
0x1d: {  	[sflag:s15] =	ssyncset.done @!p0 $0x0  }
0x1e: {  	[sflag:s15] =	ssyncadd.s32 @!p0 $0xFFFFFFF0  }
0x1f: {  	s29 =	simm.s32 $0x0;
	v1 =	vld.idx.msk [tilespmem:v1+s3+$0x0], $0xffff  }
0x20: {  	v2 =	vld [tilespmem:s29+$0x0];
	_ =	sdelay $0x1  }
0x21: {  	s30 =	simm.s32 $0x11  }
0x22: {  	v3 =	vadd.s32 s30, v0  }
0x23: {  	s31 =	sadd.s32 $0x0, s8  }
0x24: {  	vm0 =	veq.s32 v2, v1;
	v1 =	vor.u32 s31, v0  }
0x25: {  	s16 =	simm.s32 $0x4080;
	v1 =	vsel vm0, v1, v2  }
0x26: {  	[tilespmem:s16+$0x0] =	vst v1  }
0x27: {  	s18 =	simm.s32 $0x10;
	v2 =	vld.idx.msk [tilespmem:v3+s3+$0x0], $0xffff  }
0x28: {  	v1 =	vld [tilespmem:s18+$0x0]  }
0x29: {  	s20 =	simm.s32 $0x21  }
0x2a: {  	s19 =	simm.s32 $0x30;
	s17 =	simm.s32 $0x10;
	s15 =	simm.s32 $0x20  }
.LBB2_3:
0x2b: {  	p0 =	sne.s32 s19, $0x1FF0;
	v3 =	vadd.s32 s20, v0  }
0x2c: {  	s20 =	sadd.s32 s18, s8;
	s18 =	smov.u32 s15;
	s15 =	smov.u32 s19  }
0x2d: {  	vm0 =	veq.s32 v1, v2;
	v2 =	vor.u32 s20, v0  }
0x2e: {  	s16 =	sadd.s32 $0x10, s16;
	v1 =	vsel vm0, v2, v1  }
.Ltmp0:
0x2f: {  	[tilespmem:s16+$0x0] =	vst v1;
	(pc) =	sbr.rel @p0 .LBB2_3-.Ltmp0, $3  }
0x30: {  	s17 =	sadd.s32 $0x10, s17;
	v2 =	vld.idx.msk [tilespmem:v3+s3+$0x0], $0xffff  }
0x31: {  	v1 =	vld [tilespmem:s17+$0x0];
	_ =	sdelay $0x1  }
0x32: {  	s19 =	sadd.s32 $0x10, s19;
	s20 =	sadd.s32 $0x1, s15  }
0x33: {  	v3 =	vadd.s32 s20, v0  }
0x34: {  	s18 =	sadd.s32 s18, s8  }
0x35: {  	vm0 =	veq.s32 v1, v2;
	v2 =	vor.u32 s18, v0  }
0x36: {  	s16 =	sadd.s32 $0x10, s16;
	v1 =	vsel vm0, v2, v1  }
0x37: {  	[tilespmem:s16+$0x0] =	vst v1  }
0x38: {  	s17 =	sadd.s32 $0x10, s17;
	v1 =	vld.idx.msk [tilespmem:v3+s3+$0x0], $0xffff  }
0x39: {  	v2 =	vld [tilespmem:s17+$0x0];
	_ =	sdelay $0x3  }
0x3a: {  	s15 =	sadd.s32 s15, s8  }
0x3b: {  	s13 =	sadd.s32 $0x1, s13;
	vm15 =	veq.s32 v2, v1;
	v1 =	vor.u32 s15, v0  }
0x3c: {  	s31 =	sadd.s32 $0x10, s16;
	p0 =	sne.s32 s13, $0x10;
	v1 =	vsel vm15, v1, v2  }
.Ltmp1:
0x3d: {  	s14 =	sadd.s32 s5, s14;
	[tilespmem:s31+$0x0] =	vst v1;
	(pc) =	sbr.rel @p0 .LBB2_2-.Ltmp1, $4  }
0x3e: {  	[hbm4b:s14+s3] =	stream.linear.scatter [tilespmem:s10], [sflag:$0x1], $0x2000, $0x38;
	[tilespmem:$0x6080] =	vst v63  }
0x3f: {  	_ =	swait.ge [sflag:s11], $0x2000  }
0x40: {  	[sflag:s11] =	ssyncset.done $0x0  }
0x41: {  	[sflag:s11] =	ssyncadd.s32 $0xFFFFE000  }
0x42: {  	s12 =	sadd.s32 $0x1, s12  }
0x43: {  	p0 =	sne.s32 s12, s7  }
.Ltmp2:
0x44: {  	_ = 	snop;
	(pc) =	sbr.rel @p0 .LBB2_1-.Ltmp2, $1  }
0x45: {  	_ =	sdelay $0x3  }
0x46: {  	_ =	sfence.sel $0x180000  }
0x47: {  	[bflag:$0x0] =	sbarrier.arrive $0xFFFF  }
0x48: {  	p0 =	sne.s32 s4, $0x0;
	_ =	strace $0x9000004A  }
0x49: {  	s0 =	sadd.s32 @!p0 $0x100000, s0;
	[bflag:$0x2] =	sbarrier.arrive $0xFFFF  }
0x4a: {  	[sflag:s0] =	ssyncadd.tile.s32 @!p0 $0x1;
	_ =	shalt  }
.Lfunc_end2:
_tile_overlayer_lowered:
.L_overlay_start_2:
0x4b: {  	(tag) =	ssettag $0x2  }
0x4c: {  	s0 =	rddreg [dreg:$0x0];
	s2 =	stileid.u32  }
0x4d: {  	s1 =	rddreg [dreg:$0x1];
	p0 =	sne.s32 s2, $0x0  }
0x4e: {  	s3 =	rddreg [dreg:$0x2];
	[bflag:$0x3] =	sbarrier.arrive $0xFFFF;
	s2 =	simm.s32 @!p0 $0x1C02  }
0x4f: {  	[timem:s3], [sflag:s2] =	dma.local @!p0 [hbm:s0], s1  }
0x50: {  	s0 =	simm.s32 @!p0 $0x2  }
0x51: {  	_ =	swait.ge @!p0 [sflag:s0], s1  }
0x52: {  	s1 =	ssub.s32 @!p0 $0x0, s1;
	[sflag:s0] =	ssyncset.done @!p0 $0x0  }
0x53: {  	[sflag:s0] =	ssyncadd.s32 @!p0 s1  }
0x54: {  	[bflag:$0x3] =	sbarrier.arrive $0xFFFF  }
0x55: {  	_ =	shalt  }

</sc_bundles>
